<compile_context>
chip_gen: v7x
topology: tpu7x:2x2x1
jax: 0.10.2.dev20260603
libtpu: 0.0.44.dev20260713+nightly
codegen_flags: <defaults>
</compile_context>

<pallas_src>
import jax
import jax.numpy as jnp
import numpy as np
from jax import lax
from jax.experimental import pallas as pl
from jax.experimental.pallas import tpu as pltpu
from jax.experimental.pallas import tpu_sc as plsc

B = 16
N = 100000
H = W = 512
THRESH = 1.0 - 0.03

TBL_ROWS = 40
TBL_WORDS = TBL_ROWS * 512
SENTINEL_BASE = H * W

NUM_CORES = 2
NUM_SUBCORES = 16
NUM_WORKERS = NUM_CORES * NUM_SUBCORES
PW = (B * N) // NUM_WORKERS
LANES = 16



def _idx_body(q_ref, out_ref):
    x = q_ref[0]
    y = q_ref[1]
    vx = jnp.round(((x + 1.0) * 512.0 - 1.0) / 2.0)
    vy = jnp.round(((y + 1.0) * 512.0 - 1.0) / 2.0)
    valid = (vx >= 0.0) & (vx <= 511.0) & (vy >= 0.0) & (vy <= 511.0)
    ix = jnp.clip(vx, 0.0, 511.0).astype(jnp.int32)
    iy = jnp.clip(vy, 0.0, 511.0).astype(jnp.int32)
    c = (
        lax.shift_left(lax.shift_right_logical(iy, 4), 13)
        | lax.shift_left(ix, 4)
        | (iy & 15)
    )
    spread = lax.broadcasted_iota(jnp.int32, c.shape, 1) & 4095
    out_ref[...] = jnp.where(valid, c, SENTINEL_BASE + spread)


def _compute_addresses(qp):
    return pl.pallas_call(
        _idx_body,
        grid=(2,),
        in_specs=[
            pl.BlockSpec((2, 8, N), lambda i: (0, i, 0)),
        ],
        out_specs=pl.BlockSpec((8, N), lambda i: (i, 0)),
        out_shape=jax.ShapeDtypeStruct((B, N), jnp.int32),
    )(qp)




def _tbl_body(img_ref, p_ref, tbl_ref):
    t = (img_ref[0] < THRESH).astype(jnp.float32)
    w = jnp.dot(p_ref[...], t, preferred_element_type=jnp.float32)
    wi = w.astype(jnp.int32)
    sent = jnp.full((8, 512), 65535, jnp.int32)
    tbl_ref[0] = jnp.concatenate([wi, sent], axis=0)


def _pack_matrix() -> np.ndarray:
    p = np.zeros((32, 512), np.float32)
    iy = np.arange(512)
    p[iy >> 4, iy] = (1 << (iy & 15)).astype(np.float32)
    return p


def _compute_table(img):
    p = jnp.asarray(_pack_matrix())
    return pl.pallas_call(
        _tbl_body,
        grid=(B,),
        in_specs=[
            pl.BlockSpec((1, H, W), lambda b: (b, 0, 0)),
            pl.BlockSpec((32, 512), lambda b: (0, 0)),
        ],
        out_specs=pl.BlockSpec((1, TBL_ROWS, 512), lambda b: (b, 0, 0)),
        out_shape=jax.ShapeDtypeStruct((B, TBL_ROWS, 512), jnp.int32),
    )(img, p)



UNROLL = 5


def _sc_body(tbl_hbm, idx_hbm, out_hbm, tbl_v, idx_v, res_v):
    wid = lax.axis_index("s") * NUM_CORES + lax.axis_index("c")
    img = wid // 2
    base = wid * PW
    pltpu.sync_copy(tbl_hbm.at[img], tbl_v)
    pltpu.sync_copy(idx_hbm.at[pl.ds(base, PW)], idx_v)

    @plsc.parallel_loop(0, PW, LANES, unroll=UNROLL)
    def _loop(s):
        c = idx_v[pl.ds(s, LANES)]
        word = plsc.load_gather(tbl_v, [lax.shift_right_logical(c, 4)])
        bit = lax.bitwise_and(c, 15)
        r = lax.bitwise_and(lax.shift_right_logical(word, bit), 1)
        res_v[pl.ds(s, LANES)] = r

    pltpu.sync_copy(res_v, out_hbm.at[pl.ds(base, PW)])


def _sc_gather(tbl, idx):
    mesh = plsc.VectorSubcoreMesh(core_axis_name="c", subcore_axis_name="s")
    f = pl.kernel(
        _sc_body,
        out_type=jax.ShapeDtypeStruct((B * N,), jnp.int32),
        mesh=mesh,
        scratch_types=[
            pltpu.VMEM((TBL_WORDS,), jnp.int32),
            pltpu.VMEM((PW,), jnp.int32),
            pltpu.VMEM((PW,), jnp.int32),
        ],
        compiler_params=pltpu.CompilerParams(needs_layout_passes=False),
    )
    return f(tbl, idx)




def kernel(query_pts, reference):
    img = reference.reshape(B, H, W)
    qp = jnp.transpose(query_pts, (2, 0, 1))
    idxc = _compute_addresses(qp)
    tbl = _compute_table(img)
    res = _sc_gather(tbl.reshape(B, TBL_WORDS), idxc.reshape(B * N))
    return res.reshape(B, N).astype(jnp.bool_)

# --- scband reference (transcript-rebuilt; emitter-appended) ---
"""Pipeline reference for scband-space-carver-module-48043504173597 (READ-ONLY COPY).

The authoritative reference and input builder live on the scoring server;
editing this copy changes nothing except your own understanding.
"""

import jax, jax.numpy as jnp
import numpy as np


def setup_inputs(seed: int = 0) -> dict:
    key = jax.random.key(seed)
    k1, k2 = jax.random.split(key)
    # query_pts are normalized image-plane coords; rand in [0,1) is a valid subset of [-1,1]
    query_pts = jax.random.uniform(k1, (16, 100000, 2), dtype=jnp.float32)
    reference = jax.random.uniform(k2, (16, 1, 512, 512), dtype=jnp.float32)
    return {"query_pts": query_pts, "reference": reference}


def _grid_sample_nearest(ref, grid):
    # ref: [B, C, H, W]; grid: [B, 1, N, 2] in [-1, 1], align_corners=False, padding zeros
    B, C, H, W = ref.shape
    x = grid[..., 0]
    y = grid[..., 1]
    # torch unnormalization for align_corners=False, then nearest (round half-to-even, matches nearbyint)
    ix = jnp.round(((x + 1.0) * W - 1.0) / 2.0)
    iy = jnp.round(((y + 1.0) * H - 1.0) / 2.0)
    valid = (ix >= 0) & (ix <= W - 1) & (iy >= 0) & (iy <= H - 1)
    ixc = jnp.clip(ix, 0, W - 1).astype(jnp.int32)
    iyc = jnp.clip(iy, 0, H - 1).astype(jnp.int32)
    bidx = jnp.arange(B)[:, None, None]
    vals = ref[bidx, :, iyc, ixc]              # [B, 1, N, C] (gather)
    vals = jnp.where(valid[..., None], vals, 0.0)  # zeros padding
    vals = jnp.moveaxis(vals, -1, 1)           # [B, C, 1, N]
    return vals


def reference(query_pts, reference):
    # SpaceCarverModule(mode='mask', eps=0.03), eval mode, no world_mat/camera_mat
    eps = 0.03
    B, N, _ = query_pts.shape
    grid = query_pts[:, None, :, :]            # dim==3 -> unsqueeze(1): [B, 1, N, 2]
    cor_mask = _grid_sample_nearest(reference, grid)  # [B, C=1, 1, N]
    cor_mask = cor_mask.reshape(cor_mask.shape[0], cor_mask.shape[3])  # [B, N]
    remove_idx_bool = cor_mask < (1.0 - eps)
    return remove_idx_bool

if __name__ == "__main__":
    import jax
    _d = setup_inputs()
    print(jax.jit(kernel)(*tuple(_d.values())))

</pallas_src>

<mosaic_0001>
#map = affine_map<(d0, d1) -> (0, 0)>
#map1 = affine_map<(d0, d1) -> (0)>
module attributes {stable_mosaic.version = 14 : i64} {
  func.func @_sc_body(%arg0: i32, %arg1: i32, %arg2: memref<16x20480xi32, #tpu.memory_space<hbm>>, %arg3: memref<1600000xi32, #tpu.memory_space<hbm>>, %arg4: memref<1600000xi32, #tpu.memory_space<hbm>>, %arg5: memref<20480xi32, #tpu.memory_space<vmem>>, %arg6: memref<50000xi32, #tpu.memory_space<vmem>>, %arg7: memref<50000xi32, #tpu.memory_space<vmem>>) attributes {dimension_semantics = [#tpu.dimension_semantics<core_parallel>, #tpu.dimension_semantics<subcore_parallel>], iteration_bounds = array<i64: 2, 16>, scalar_prefetch = 0 : i64, scratch_operands = 3 : i64, tpu.core_type = #tpu.core_type<sc_vector_subcore>, window_params = [{transform_indices = #map}, {transform_indices = #map1}, {transform_indices = #map1}]} {
    %mul3A = arith.constant 2 : i32
    %mul3A_0 = arith.muli %arg1, %mul3A : i32
    %add3A = arith.addi %mul3A_0, %arg0 : i32
    %jit3A = arith.constant 2 : i32
    %div3A = arith.divsi %add3A, %jit3A : i32
    %sign3A = arith.constant 0 : i32
    %sign3A_1 = arith.cmpi sgt, %add3A, %sign3A : i32
    %sign3A_2 = arith.extui %sign3A_1 : i1 to i32
    %sign3A_3 = arith.constant 0 : i32
    %sign3A_4 = arith.cmpi slt, %add3A, %sign3A_3 : i32
    %sign3A_5 = arith.extui %sign3A_4 : i1 to i32
    %sign3A_6 = arith.subi %sign3A_2, %sign3A_5 : i32
    %sign3A_7 = arith.constant 0 : i32
    %sign3A_8 = arith.cmpi sgt, %jit3A, %sign3A_7 : i32
    %sign3A_9 = arith.extui %sign3A_8 : i1 to i32
    %sign3A_10 = arith.constant 0 : i32
    %sign3A_11 = arith.cmpi slt, %jit3A, %sign3A_10 : i32
    %sign3A_12 = arith.extui %sign3A_11 : i1 to i32
    %sign3A_13 = arith.subi %sign3A_9, %sign3A_12 : i32
    %ne3A = arith.cmpi ne, %sign3A_6, %sign3A_13 : i32
    %rem3A = arith.remsi %add3A, %jit3A : i32
    %ne3A_14 = arith.constant 0 : i32
    %ne3A_15 = arith.cmpi ne, %rem3A, %ne3A_14 : i32
    %and3A = arith.andi %ne3A, %ne3A_15 : i1
    %sub3A = arith.constant 1 : i32
    %sub3A_16 = arith.subi %div3A, %sub3A : i32
    %select_n3A = arith.select %and3A, %sub3A_16, %div3A : i32
    %mul3A_17 = arith.constant 50000 : i32
    %mul3A_18 = arith.muli %add3A, %mul3A_17 : i32
    "tpu.region"() ({
      %run_scoped3A = tpu.sem_alloc : memref<!tpu.dma_semaphore, #tpu.memory_space<semaphore_mem>>
      %dma_start3A = arith.constant 0 : i32
      %dma_start3A_21 = tpu.memref_slice %arg2[%select_n3A, %dma_start3A] : memref<16x20480xi32, #tpu.memory_space<hbm>> -> memref<1x20480xi32, #tpu.memory_space<hbm>>
      %dma_start3A_22 = tpu.memref_squeeze %dma_start3A_21 : memref<1x20480xi32, #tpu.memory_space<hbm>> -> memref<20480xi32, #tpu.memory_space<hbm>>
      %dma_start3A_23 = arith.constant 0 : i32
      %dma_start3A_24 = tpu.memref_slice %arg2[%select_n3A, %dma_start3A_23] : memref<16x20480xi32, #tpu.memory_space<hbm>> -> memref<1x20480xi32, #tpu.memory_space<hbm>>
      %dma_start3A_25 = tpu.memref_squeeze %dma_start3A_24 : memref<1x20480xi32, #tpu.memory_space<hbm>> -> memref<20480xi32, #tpu.memory_space<hbm>>
      tpu.enqueue_dma source(%dma_start3A_25 : memref<20480xi32, #tpu.memory_space<hbm>>) target(%arg5 : memref<20480xi32, #tpu.memory_space<vmem>>) target_semaphore(%run_scoped3A : memref<!tpu.dma_semaphore, #tpu.memory_space<semaphore_mem>>)
      %dma_wait3A = arith.constant 0 : i32
      %dma_wait3A_26 = tpu.memref_slice %arg2[%select_n3A, %dma_wait3A] : memref<16x20480xi32, #tpu.memory_space<hbm>> -> memref<1x20480xi32, #tpu.memory_space<hbm>>
      %dma_wait3A_27 = tpu.memref_squeeze %dma_wait3A_26 : memref<1x20480xi32, #tpu.memory_space<hbm>> -> memref<20480xi32, #tpu.memory_space<hbm>>
      %dma_wait3A_28 = arith.constant 0 : i32
      %dma_wait3A_29 = tpu.memref_slice %arg2[%select_n3A, %dma_wait3A_28] : memref<16x20480xi32, #tpu.memory_space<hbm>> -> memref<1x20480xi32, #tpu.memory_space<hbm>>
      %dma_wait3A_30 = tpu.memref_squeeze %dma_wait3A_29 : memref<1x20480xi32, #tpu.memory_space<hbm>> -> memref<20480xi32, #tpu.memory_space<hbm>>
      tpu.wait_dma2 semaphore(%run_scoped3A : memref<!tpu.dma_semaphore, #tpu.memory_space<semaphore_mem>>) src(%dma_wait3A_30 : memref<20480xi32, #tpu.memory_space<hbm>>) dst(%arg5 : memref<20480xi32, #tpu.memory_space<vmem>>)
      tpu.yield
    }) : () -> ()
    "tpu.region"() ({
      %run_scoped3A = tpu.sem_alloc : memref<!tpu.dma_semaphore, #tpu.memory_space<semaphore_mem>>
      %dma_start3A = tpu.memref_slice %arg3[%mul3A_18] : memref<1600000xi32, #tpu.memory_space<hbm>> -> memref<50000xi32, #tpu.memory_space<hbm>>
      %dma_start3A_21 = tpu.memref_slice %arg3[%mul3A_18] : memref<1600000xi32, #tpu.memory_space<hbm>> -> memref<50000xi32, #tpu.memory_space<hbm>>
      tpu.enqueue_dma source(%dma_start3A_21 : memref<50000xi32, #tpu.memory_space<hbm>>) target(%arg6 : memref<50000xi32, #tpu.memory_space<vmem>>) target_semaphore(%run_scoped3A : memref<!tpu.dma_semaphore, #tpu.memory_space<semaphore_mem>>)
      %dma_wait3A = tpu.memref_slice %arg3[%mul3A_18] : memref<1600000xi32, #tpu.memory_space<hbm>> -> memref<50000xi32, #tpu.memory_space<hbm>>
      %dma_wait3A_22 = tpu.memref_slice %arg3[%mul3A_18] : memref<1600000xi32, #tpu.memory_space<hbm>> -> memref<50000xi32, #tpu.memory_space<hbm>>
      tpu.wait_dma2 semaphore(%run_scoped3A : memref<!tpu.dma_semaphore, #tpu.memory_space<semaphore_mem>>) src(%dma_wait3A_22 : memref<50000xi32, #tpu.memory_space<hbm>>) dst(%arg6 : memref<50000xi32, #tpu.memory_space<vmem>>)
      tpu.yield
    }) : () -> ()
    %parallel_loop3A = arith.constant 0 : i32
    %parallel_loop3A_19 = arith.constant 50000 : i32
    %parallel_loop3A_20 = arith.constant 16 : i32
    scf.for %parallel_loop3A_21 = %parallel_loop3A to %parallel_loop3A_19 step %parallel_loop3A_20  : i32 {
      %parallel_loop3A_22 = arith.index_cast %parallel_loop3A_21 : i32 to index
      %parallel_loop3A_23 = tpu.vector_load %arg6[%parallel_loop3A_22] {strides = array<i32>} : memref<50000xi32, #tpu.memory_space<vmem>>, vector<16xi32>,
      %parallel_loop3A_24 = arith.constant 4 : i32
      %parallel_loop3A_25 = vector.broadcast %parallel_loop3A_24 : i32 to vector<16xi32>
      %parallel_loop3A_26 = arith.shrui %parallel_loop3A_23, %parallel_loop3A_25 : vector<16xi32>
      %parallel_loop3A_27 = tpu.vector_load_idx %arg5[%parallel_loop3A_26] : memref<20480xi32, #tpu.memory_space<vmem>>[vector<16xi32>], vector<16xi32>,
      %parallel_loop3A_28 = arith.constant 15 : i32
      %parallel_loop3A_29 = vector.broadcast %parallel_loop3A_28 : i32 to vector<16xi32>
      %parallel_loop3A_30 = arith.andi %parallel_loop3A_23, %parallel_loop3A_29 : vector<16xi32>
      %parallel_loop3A_31 = arith.shrui %parallel_loop3A_27, %parallel_loop3A_30 : vector<16xi32>
      %parallel_loop3A_32 = arith.constant 1 : i32
      %parallel_loop3A_33 = vector.broadcast %parallel_loop3A_32 : i32 to vector<16xi32>
      %parallel_loop3A_34 = arith.andi %parallel_loop3A_31, %parallel_loop3A_33 : vector<16xi32>
      %parallel_loop3A_35 = arith.index_cast %parallel_loop3A_21 : i32 to index
      %parallel_loop3A_36 = tpu.vector_load %arg7[%parallel_loop3A_35] {strides = array<i32>} : memref<50000xi32, #tpu.memory_space<vmem>>, vector<16xi32>,
      tpu.vector_store %arg7[%parallel_loop3A_35], %parallel_loop3A_34 {strides = array<i32>} : memref<50000xi32, #tpu.memory_space<vmem>>, vector<16xi32>,
    } {sc.loop_unroll_factor = 5 : i64, sc.parallel_access}
    "tpu.region"() ({
      %run_scoped3A = tpu.sem_alloc : memref<!tpu.dma_semaphore, #tpu.memory_space<semaphore_mem>>
      %dma_start3A = tpu.memref_slice %arg4[%mul3A_18] : memref<1600000xi32, #tpu.memory_space<hbm>> -> memref<50000xi32, #tpu.memory_space<hbm>>
      %dma_start3A_21 = tpu.memref_slice %arg4[%mul3A_18] : memref<1600000xi32, #tpu.memory_space<hbm>> -> memref<50000xi32, #tpu.memory_space<hbm>>
      tpu.enqueue_dma source(%arg7 : memref<50000xi32, #tpu.memory_space<vmem>>) target(%dma_start3A_21 : memref<50000xi32, #tpu.memory_space<hbm>>) target_semaphore(%run_scoped3A : memref<!tpu.dma_semaphore, #tpu.memory_space<semaphore_mem>>)
      %dma_wait3A = tpu.memref_slice %arg4[%mul3A_18] : memref<1600000xi32, #tpu.memory_space<hbm>> -> memref<50000xi32, #tpu.memory_space<hbm>>
      %dma_wait3A_22 = tpu.memref_slice %arg4[%mul3A_18] : memref<1600000xi32, #tpu.memory_space<hbm>> -> memref<50000xi32, #tpu.memory_space<hbm>>
      tpu.wait_dma2 semaphore(%run_scoped3A : memref<!tpu.dma_semaphore, #tpu.memory_space<semaphore_mem>>) src(%arg7 : memref<50000xi32, #tpu.memory_space<vmem>>) dst(%dma_wait3A_22 : memref<50000xi32, #tpu.memory_space<hbm>>)
      tpu.yield
    }) : () -> ()
    return
  }
}

module attributes {stable_mosaic.version = 14 : i64} {
  func.func @_idx_body(%arg0: i32, %arg1: memref<2x8x100000xf32, #tpu.memory_space<vmem>>, %arg2: memref<8x100000xi32, #tpu.memory_space<vmem>>) attributes {dimension_semantics = [#tpu.dimension_semantics<arbitrary>], iteration_bounds = array<i64: 2>, scalar_prefetch = 0 : i64, scratch_operands = 0 : i64, tpu.core_type = #tpu.core_type<tc>, window_params = [{transform_indices = @transform_0, window_bounds = array<i64: 2, 8, 100000>}, {transform_indices = @transform_1, window_bounds = array<i64: 8, 100000>}]} {
    %get3A = arith.constant 0 : index
    %get3A_0 = arith.constant 0 : index
    %get3A_1 = arith.constant 0 : index
    %get3A_2 = vector.load %arg1[%get3A, %get3A_0, %get3A_1] : memref<2x8x100000xf32, #tpu.memory_space<vmem>>, vector<1x8x100000xf32>
    %get3A_3 = vector.shape_cast %get3A_2 : vector<1x8x100000xf32> to vector<8x100000xf32>
    %get3A_4 = arith.constant 1 : index
    %get3A_5 = arith.constant 0 : index
    %get3A_6 = arith.constant 0 : index
    %get3A_7 = vector.load %arg1[%get3A_4, %get3A_5, %get3A_6] : memref<2x8x100000xf32, #tpu.memory_space<vmem>>, vector<1x8x100000xf32>
    %get3A_8 = vector.shape_cast %get3A_7 : vector<1x8x100000xf32> to vector<8x100000xf32>
    %add3A = arith.constant 1.000000e+00 : f32
    %add3A_9 = vector.broadcast %add3A : f32 to vector<8x100000xf32>
    %add3A_10 = arith.addf %get3A_3, %add3A_9 : vector<8x100000xf32>
    %mul3A = arith.constant 5.120000e+02 : f32
    %mul3A_11 = vector.broadcast %mul3A : f32 to vector<8x100000xf32>
    %mul3A_12 = arith.mulf %add3A_10, %mul3A_11 : vector<8x100000xf32>
    %sub3A = arith.constant 1.000000e+00 : f32
    %sub3A_13 = vector.broadcast %sub3A : f32 to vector<8x100000xf32>
    %sub3A_14 = arith.subf %mul3A_12, %sub3A_13 : vector<8x100000xf32>
    %div3A = arith.constant 2.000000e+00 : f32
    %div3A_15 = vector.broadcast %div3A : f32 to vector<8x100000xf32>
    %div3A_16 = arith.divf %sub3A_14, %div3A_15 : vector<8x100000xf32>
    %round3A = math.roundeven %div3A_16 : vector<8x100000xf32>
    %add3A_17 = arith.constant 1.000000e+00 : f32
    %add3A_18 = vector.broadcast %add3A_17 : f32 to vector<8x100000xf32>
    %add3A_19 = arith.addf %get3A_8, %add3A_18 : vector<8x100000xf32>
    %mul3A_20 = arith.constant 5.120000e+02 : f32
    %mul3A_21 = vector.broadcast %mul3A_20 : f32 to vector<8x100000xf32>
    %mul3A_22 = arith.mulf %add3A_19, %mul3A_21 : vector<8x100000xf32>
    %sub3A_23 = arith.constant 1.000000e+00 : f32
    %sub3A_24 = vector.broadcast %sub3A_23 : f32 to vector<8x100000xf32>
    %sub3A_25 = arith.subf %mul3A_22, %sub3A_24 : vector<8x100000xf32>
    %div3A_26 = arith.constant 2.000000e+00 : f32
    %div3A_27 = vector.broadcast %div3A_26 : f32 to vector<8x100000xf32>
    %div3A_28 = arith.divf %sub3A_25, %div3A_27 : vector<8x100000xf32>
    %round3A_29 = math.roundeven %div3A_28 : vector<8x100000xf32>
    %ge3A = arith.constant 0.000000e+00 : f32
    %ge3A_30 = vector.broadcast %ge3A : f32 to vector<8x100000xf32>
    %ge3A_31 = arith.cmpf oge, %round3A, %ge3A_30 : vector<8x100000xf32>
    %le3A = arith.constant 5.110000e+02 : f32
    %le3A_32 = vector.broadcast %le3A : f32 to vector<8x100000xf32>
    %le3A_33 = arith.cmpf ole, %round3A, %le3A_32 : vector<8x100000xf32>
    %and3A = arith.andi %ge3A_31, %le3A_33 : vector<8x100000xi1>
    %ge3A_34 = arith.constant 0.000000e+00 : f32
    %ge3A_35 = vector.broadcast %ge3A_34 : f32 to vector<8x100000xf32>
    %ge3A_36 = arith.cmpf oge, %round3A_29, %ge3A_35 : vector<8x100000xf32>
    %and3A_37 = arith.andi %and3A, %ge3A_36 : vector<8x100000xi1>
    %le3A_38 = arith.constant 5.110000e+02 : f32
    %le3A_39 = vector.broadcast %le3A_38 : f32 to vector<8x100000xf32>
    %le3A_40 = arith.cmpf ole, %round3A_29, %le3A_39 : vector<8x100000xf32>
    %and3A_41 = arith.andi %and3A_37, %le3A_40 : vector<8x100000xi1>
    %jit3A = arith.constant 0.000000e+00 : f32
    %jit3A_42 = arith.constant 5.110000e+02 : f32
    %max3A = vector.broadcast %jit3A : f32 to vector<8x100000xf32>
    %max3A_43 = arith.maximumf %max3A, %round3A : vector<8x100000xf32>
    %min3A = vector.broadcast %jit3A_42 : f32 to vector<8x100000xf32>
    %min3A_44 = arith.minimumf %min3A, %max3A_43 : vector<8x100000xf32>
    %convert_element_type3A = arith.fptosi %min3A_44 : vector<8x100000xf32> to vector<8x100000xi32>
    %jit3A_45 = arith.constant 0.000000e+00 : f32
    %jit3A_46 = arith.constant 5.110000e+02 : f32
    %max3A_47 = vector.broadcast %jit3A_45 : f32 to vector<8x100000xf32>
    %max3A_48 = arith.maximumf %max3A_47, %round3A_29 : vector<8x100000xf32>
    %min3A_49 = vector.broadcast %jit3A_46 : f32 to vector<8x100000xf32>
    %min3A_50 = arith.minimumf %min3A_49, %max3A_48 : vector<8x100000xf32>
    %convert_element_type3A_51 = arith.fptosi %min3A_50 : vector<8x100000xf32> to vector<8x100000xi32>
    %shift_right_logical3A = arith.constant 4 : i32
    %shift_right_logical3A_52 = vector.broadcast %shift_right_logical3A : i32 to vector<8x100000xi32>
    %shift_right_logical3A_53 = arith.shrui %convert_element_type3A_51, %shift_right_logical3A_52 : vector<8x100000xi32>
    %shift_left3A = arith.constant 13 : i32
    %shift_left3A_54 = vector.broadcast %shift_left3A : i32 to vector<8x100000xi32>
    %shift_left3A_55 = arith.shli %shift_right_logical3A_53, %shift_left3A_54 : vector<8x100000xi32>
    %shift_left3A_56 = arith.constant 4 : i32
    %shift_left3A_57 = vector.broadcast %shift_left3A_56 : i32 to vector<8x100000xi32>
    %shift_left3A_58 = arith.shli %convert_element_type3A, %shift_left3A_57 : vector<8x100000xi32>
    %or3A = arith.ori %shift_left3A_55, %shift_left3A_58 : vector<8x100000xi32>
    %and3A_59 = arith.constant 15 : i32
    %and3A_60 = vector.broadcast %and3A_59 : i32 to vector<8x100000xi32>
    %and3A_61 = arith.andi %convert_element_type3A_51, %and3A_60 : vector<8x100000xi32>
    %or3A_62 = arith.ori %or3A, %and3A_61 : vector<8x100000xi32>
    %iota3A = tpu.iota {dimensions = array<i32: 1>} : vector<8x100000xi32>
    %and3A_63 = arith.constant 4095 : i32
    %and3A_64 = vector.broadcast %and3A_63 : i32 to vector<8x100000xi32>
    %and3A_65 = arith.andi %iota3A, %and3A_64 : vector<8x100000xi32>
    %add3A_66 = arith.constant 262144 : i32
    %add3A_67 = vector.broadcast %add3A_66 : i32 to vector<8x100000xi32>
    %add3A_68 = arith.addi %add3A_67, %and3A_65 : vector<8x100000xi32>
    %select_n3A = arith.select %and3A_41, %or3A_62, %add3A_68 : vector<8x100000xi1>, vector<8x100000xi32>
    %swap3A = arith.constant 0 : index
    %swap3A_69 = arith.constant 0 : index
    %swap3A_70 = vector.load %arg2[%swap3A, %swap3A_69] : memref<8x100000xi32, #tpu.memory_space<vmem>>, vector<8x100000xi32>
    tpu.vector_store %arg2[%swap3A, %swap3A_69], %select_n3A {strides = array<i32>} : memref<8x100000xi32, #tpu.memory_space<vmem>>, vector<8x100000xi32>,
    return
  }
  func.func @transform_0(%arg0: i32) -> (i32, i32, i32) {
    %c0_i32 = arith.constant 0 : i32
    %c0_i32_0 = arith.constant 0 : i32
    %c0_i32_1 = arith.constant 0 : i32
    return %c0_i32, %arg0, %c0_i32_0 : i32, i32, i32
  }
  func.func @transform_1(%arg0: i32) -> (i32, i32) {
    %c0_i32 = arith.constant 0 : i32
    %c0_i32_0 = arith.constant 0 : i32
    return %arg0, %c0_i32 : i32, i32
  }
}

module attributes {stable_mosaic.version = 14 : i64} {
  func.func @_tbl_body(%arg0: i32, %arg1: memref<1x512x512xf32, #tpu.memory_space<vmem>>, %arg2: memref<32x512xf32, #tpu.memory_space<vmem>>, %arg3: memref<1x40x512xi32, #tpu.memory_space<vmem>>) attributes {dimension_semantics = [#tpu.dimension_semantics<arbitrary>], iteration_bounds = array<i64: 16>, scalar_prefetch = 0 : i64, scratch_operands = 0 : i64, tpu.core_type = #tpu.core_type<tc>, window_params = [{transform_indices = @transform_0, window_bounds = array<i64: 1, 512, 512>}, {pipeline_mode = #tpu.pipeline_mode<synchronous>, transform_indices = @transform_1, window_bounds = array<i64: 32, 512>}, {transform_indices = @transform_2, window_bounds = array<i64: 1, 40, 512>}]} {
    %get3A = arith.constant 0 : index
    %get3A_0 = arith.constant 0 : index
    %get3A_1 = arith.constant 0 : index
    %get3A_2 = vector.load %arg1[%get3A, %get3A_0, %get3A_1] : memref<1x512x512xf32, #tpu.memory_space<vmem>>, vector<1x512x512xf32>
    %get3A_3 = vector.shape_cast %get3A_2 : vector<1x512x512xf32> to vector<512x512xf32>
    %lt3A = arith.constant 9.700000e-01 : f32
    %lt3A_4 = vector.broadcast %lt3A : f32 to vector<512x512xf32>
    %lt3A_5 = arith.cmpf olt, %get3A_3, %lt3A_4 : vector<512x512xf32>
    %convert_element_type3A = arith.extui %lt3A_5 : vector<512x512xi1> to vector<512x512xi32>
    %convert_element_type3A_6 = arith.sitofp %convert_element_type3A : vector<512x512xi32> to vector<512x512xf32>
    %get3A_7 = arith.constant 0 : index
    %get3A_8 = arith.constant 0 : index
    %get3A_9 = vector.load %arg2[%get3A_7, %get3A_8] : memref<32x512xf32, #tpu.memory_space<vmem>>, vector<32x512xf32>
    %dot_general3A = arith.constant dense<0.000000e+00> : vector<32x512xf32>
    %dot_general3A_10 = tpu.matmul %get3A_9, %convert_element_type3A_6, %dot_general3A {dimension_numbers = #tpu.dot_dimension_numbers<[1], [0], [0], [1], [0, 0, 1, 1], [], []>, transpose_lhs_hint = false} : vector<32x512xf32>, vector<512x512xf32>, vector<32x512xf32> -> vector<32x512xf32>
    %convert_element_type3A_11 = arith.fptosi %dot_general3A_10 : vector<32x512xf32> to vector<32x512xi32>
    %broadcast_in_dim3A = arith.constant 65535 : i32
    %broadcast_in_dim3A_12 = vector.broadcast %broadcast_in_dim3A : i32 to vector<8x512xi32>
    %concatenate3A = tpu.concatenate %convert_element_type3A_11, %broadcast_in_dim3A_12 in 0 : vector<32x512xi32>, vector<8x512xi32> -> vector<40x512xi32>
    %swap3A = arith.constant 0 : index
    %swap3A_13 = arith.constant 0 : index
    %swap3A_14 = arith.constant 0 : index
    %swap3A_15 = vector.load %arg3[%swap3A, %swap3A_13, %swap3A_14] : memref<1x40x512xi32, #tpu.memory_space<vmem>>, vector<1x40x512xi32>
    %swap3A_16 = vector.shape_cast %swap3A_15 : vector<1x40x512xi32> to vector<40x512xi32>
    %swap3A_17 = vector.shape_cast %concatenate3A : vector<40x512xi32> to vector<1x40x512xi32>
    tpu.vector_store %arg3[%swap3A, %swap3A_13, %swap3A_14], %swap3A_17 {strides = array<i32>} : memref<1x40x512xi32, #tpu.memory_space<vmem>>, vector<1x40x512xi32>,
    return
  }
  func.func @transform_0(%arg0: i32) -> (i32, i32, i32) {
    %c0_i32 = arith.constant 0 : i32
    %c0_i32_0 = arith.constant 0 : i32
    %c0_i32_1 = arith.constant 0 : i32
    return %arg0, %c0_i32, %c0_i32_0 : i32, i32, i32
  }
  func.func @transform_1(%arg0: i32) -> (i32, i32) {
    %c0_i32 = arith.constant 0 : i32
    %c0_i32_0 = arith.constant 0 : i32
    %c0_i32_1 = arith.constant 0 : i32
    return %c0_i32, %c0_i32_0 : i32, i32
  }
  func.func @transform_2(%arg0: i32) -> (i32, i32, i32) {
    %c0_i32 = arith.constant 0 : i32
    %c0_i32_0 = arith.constant 0 : i32
    %c0_i32_1 = arith.constant 0 : i32
    return %arg0, %c0_i32, %c0_i32_0 : i32, i32, i32
  }
}

</mosaic_0001>

<sc_bundles>
// kernel: kernel.5.cloned.1.call-start
scs
__scs_entry_jumppad:
0x0: {  	(pc) =	sbr.rel $0x88, $3  }
0x1: {  	(tag) =	ssettag $0x0;
	lr =	simm.s32 $0x1  }
0x2: {  	[smem:$0x3F9F] =	sst lr;
	_ =	strace $0xD0000000  }
0x3: {  	_ = 	snop  }
0x4: {  	_ = 	snop  }
0x5: {  	_ = 	snop  }
0x6: {  	_ = 	snop  }
0x7: {  	_ = 	snop  }
__scs_overlays_trampoline_lowered:
0x8: {  	[smem:$0x3FAE] =	sst s0  }
0x9: {  	[smem:$0x3FAF] =	sst s1  }
0xa: {  	[smem:$0x3FB0] =	sst s2  }
0xb: {  	[smem:$0x3FB1] =	sst s3  }
0xc: {  	[smem:$0x3FB2] =	sst s4  }
0xd: {  	[smem:$0x3FB3] =	sst s5  }
0xe: {  	[smem:$0x3FB4] =	sst s6  }
0xf: {  	[smem:$0x3FB5] =	sst s7  }
0x10: {  	[smem:$0x3FB6] =	sst s8  }
0x11: {  	[smem:$0x3FB7] =	sst s9;
	s0 =	simm.s32 @!p0 $0x0  }
0x12: {  	s1 =	sld [smem:$0x3F9D];
	s0 =	simm.s32 @p0 $0x1  }
0x13: {  	[smem:$0x3FB8] =	sst s0;
	s0 =	simm.s32 @!p1 $0x0  }
0x14: {  	s2 =	sld [smem:$0x3F9C];
	s0 =	simm.s32 @p1 $0x1  }
0x15: {  	[smem:$0x3FB9] =	sst s0;
	s0 =	simm.s32 @!p2 $0x0  }
0x16: {  	s3 =	sld [smem:$0x3FDB];
	s0 =	simm.s32 @p2 $0x1  }
0x17: {  	s4 =	simm.s32 $0x1BF5;
	[smem:$0x3FBB] =	sst s0  }
0x18: {  	s0 =	sld [smem:$0x3F9E];
	_ =	swait.ge [sflag:s4], $0x0  }
0x19: {  	s7 =	sld [smem:$0x3F9F]  }
0x1a: {  	s8 =	sadd.s32 $0xFFFFE003, lr  }
0x1b: {  	s9 =	sadd.s32 $0xFFFFFEF7, lr;
	s5 =	simm.s32 $0xFFFFFFFF;
	p2 =	slt.u32 s8, $0xFFFFF086  }
0x1c: {  	p1 =	slt.u32 s9, $0xF7A;
	s5 =	simm.s32 @!p2 $0x0  }
0x1d: {  	s5 =	simm.s32 @p1 $0x1;
	p0 =	seq.s32 s7, s2  }
0x1e: {  	s7 =	smul.u32 @!p0 $0xF7A, s2;
	p2 =	seq.s32 @!p0 s5, $0x0  }
0x1f: {  	s9 =	smul.u32 $0xF7A, s1;
	s8 =	simm.s32 @!p0 $0x1BF5;
	p2 =	por !p2, p0  }
0x20: {  	[sflag:s8] =	ssyncset.s32 @!p0 $0xFFFFF086;
	s6 =	sadd.s32 @!p0 s3, s7;
	s7 =	simm.s32 @!p0 $0x108  }
0x21: {  	s3 =	sadd.s32 s3, s9;
	s6 =	sadd.s32 @!p0 $0x88, s6;
	s7 =	simm.s32 @p2 $0x1082  }
0x22: {  	[simem:s7], [sflag:s8] =	dma.local @!p0 [hbm:s6], $0xF7A  }
0x23: {  	s9 =	sor.u32 $0xD0000000, s2;
	s6 =	simm.s32 $0x108;
	_ =	swait.ge @!p0 [sflag:s8], $0x0  }
0x24: {  	s3 =	sadd.s32 $0x88, s3;
	s6 =	simm.s32 @!p1 $0x1082;
	[sflag:s4] =	ssyncset.s32 $0xFFFFF086  }
0x25: {  	[simem:s6], [sflag:s4] =	dma.local [hbm:s3], $0xF7A  }
0x26: {  	[smem:$0x3F9F] =	sst s1;
	(tag) =	ssettag s2;
	_ =	strace s9  }
0x27: {  	s1 =	sld [smem:$0x3FAF]  }
0x28: {  	s2 =	sld [smem:$0x3FB0]  }
0x29: {  	s4 =	sld [smem:$0x3FB2]  }
0x2a: {  	p0 =	seq.s32 s5, $0x0;
	s5 =	sld [smem:$0x3FB3]  }
0x2b: {  	s6 =	sld [smem:$0x3FB4]  }
0x2c: {  	s7 =	sld [smem:$0x3FB5]  }
0x2d: {  	s3 =	simm.s32 $0x108;
	s8 =	sld [smem:$0x3FB6]  }
0x2e: {  	s3 =	simm.s32 @!p0 $0x1082;
	s9 =	sld [smem:$0x3FB7]  }
0x2f: {  	lr =	sadd.s32 s0, s3;
	s0 =	sld [smem:$0x3FAE]  }
0x30: {  	s3 =	sld [smem:$0x3FB1]  }
0x31: {  	[smem:$0x3FBA] =	sst s10  }
0x32: {  	s10 =	sld [smem:$0x3FB8];
	_ =	sdelay $0x3  }
0x33: {  	p0 =	seq.s32 s10, $0x1;
	s10 =	sld [smem:$0x3FBA];
	_ =	sdelay $0x3  }
0x34: {  	[smem:$0x3FBA] =	sst s10  }
0x35: {  	s10 =	sld [smem:$0x3FB9];
	_ =	sdelay $0x3  }
0x36: {  	p1 =	seq.s32 s10, $0x1;
	s10 =	sld [smem:$0x3FBA];
	_ =	sdelay $0x3  }
0x37: {  	[smem:$0x3FBA] =	sst s10  }
0x38: {  	s10 =	sld [smem:$0x3FBB]  }
0x39: {  	_ = 	snop;
	(pc) =	sbr.ind lr, $3  }
0x3a: {  	_ = 	snop  }
0x3b: {  	_ = 	snop  }
0x3c: {  	p2 =	seq.s32 s10, $0x1;
	s10 =	sld [smem:$0x3FBA]  }
0x3d: {  	_ =	shalt  }
0x3e: {  	_ =	shalt  }
0x3f: {  	_ =	shalt  }
0x40: {  	_ =	shalt  }
0x41: {  	_ =	shalt  }
0x42: {  	_ =	shalt  }
0x43: {  	_ =	shalt  }
0x44: {  	_ =	shalt  }
0x45: {  	_ =	shalt  }
0x46: {  	_ =	shalt  }
0x47: {  	_ =	shalt  }
0x48: {  	_ =	shalt  }
0x49: {  	_ =	shalt  }
0x4a: {  	_ =	shalt  }
0x4b: {  	_ =	shalt  }
0x4c: {  	_ =	shalt  }
0x4d: {  	_ =	shalt  }
0x4e: {  	_ =	shalt  }
0x4f: {  	_ =	shalt  }
0x50: {  	_ =	shalt  }
0x51: {  	_ =	shalt  }
0x52: {  	_ =	shalt  }
0x53: {  	_ =	shalt  }
0x54: {  	_ =	shalt  }
0x55: {  	_ =	shalt  }
0x56: {  	_ =	shalt  }
0x57: {  	_ =	shalt  }
0x58: {  	_ =	shalt  }
0x59: {  	_ =	shalt  }
0x5a: {  	_ =	shalt  }
0x5b: {  	_ =	shalt  }
0x5c: {  	_ =	shalt  }
0x5d: {  	_ =	shalt  }
0x5e: {  	_ =	shalt  }
0x5f: {  	_ =	shalt  }
0x60: {  	_ =	shalt  }
0x61: {  	_ =	shalt  }
0x62: {  	_ =	shalt  }
0x63: {  	_ =	shalt  }
0x64: {  	_ =	shalt  }
0x65: {  	_ =	shalt  }
0x66: {  	_ =	shalt  }
0x67: {  	_ =	shalt  }
0x68: {  	_ =	shalt  }
0x69: {  	_ =	shalt  }
0x6a: {  	_ =	shalt  }
0x6b: {  	_ =	shalt  }
0x6c: {  	_ =	shalt  }
0x6d: {  	_ =	shalt  }
0x6e: {  	_ =	shalt  }
0x6f: {  	_ =	shalt  }
0x70: {  	_ =	shalt  }
0x71: {  	_ =	shalt  }
0x72: {  	_ =	shalt  }
0x73: {  	_ =	shalt  }
0x74: {  	_ =	shalt  }
0x75: {  	_ =	shalt  }
0x76: {  	_ =	shalt  }
0x77: {  	_ =	shalt  }
0x78: {  	_ =	shalt  }
0x79: {  	_ =	shalt  }
0x7a: {  	_ =	shalt  }
0x7b: {  	_ =	shalt  }
0x7c: {  	_ =	shalt  }
0x7d: {  	_ =	shalt  }
0x7e: {  	_ =	shalt  }
0x7f: {  	_ =	shalt  }
0x80: {  	_ =	shalt  }
0x81: {  	_ =	shalt  }
0x82: {  	_ =	shalt  }
0x83: {  	_ =	shalt  }
0x84: {  	_ =	shalt  }
0x85: {  	_ =	shalt  }
0x86: {  	_ =	shalt  }
0x87: {  	_ =	shalt  }
.Lfunc_end0:
.L_simem_size_0:
called_computation_lowered:
.L_overlay_start_0:
0x88: {  	s2 =	sld [smem:$0x3FD9]  }
0x89: {  	s3 =	sld [smem:$0x3FFE];
	_ =	sdelay $0x1  }
0x8a: {  	s1 =	srdreg.scid  }
0x8b: {  	s0 =	sand.u32 $0x1, s1  }
0x8c: {  	s17 =	sshll.u32 s0, $0xA;
	s2 =	sadd.s32 s3, s2  }
0x8d: {  	s2 =	sadd.s32 s2, s17  }
0x8e: {  	[smem:$0x3FC6] =	sst s2  }
0x8f: {  	_ = 	snop  }
0x90: {  	s2 =	sld [smem:$0x3FD0];
	(tm) =	ssettm $0x1  }
0x91: {  	s18 =	sld [smem:$0x3FFB];
	_ =	sdelay $0x3  }
0x92: {  	_ =	strace s18  }
0x93: {  	s3 =	sld [smem:$0x3FFC];
	_ =	sdelay $0x3  }
0x94: {  	_ =	strace s3  }
0x95: {  	s3 =	sld [smem:$0x3FFD];
	_ =	sdelay $0x3  }
0x96: {  	_ =	strace s3  }
0x97: {  	_ =	strace $0x8FFFFFFF  }
0x98: {  	s19 =	sld [smem:$0x3FDB];
	_ =	sdelay $0x1  }
0x99: {  	s4 =	simm.s32 $_scs_section_size  }
0x9a: {  	s5 =	simm.s32 $_size__tile_overlayer_lowered;
	s6 =	simm.s32 $_tile_overlayer_lowered  }
0x9b: {  	s22 =	simm.s32 $0x1BFF;
	s21 =	sshll.u32 s6, $0x1;
	s3 =	sadd.s32 s4, s19  }
0x9c: {  	s7 =	simm.s32 $0x0;
	s20 =	sshll.u32 s5, $0x1;
	s5 =	sadd.s32 s21, s3  }
0x9d: {  	[timem:s7], [sflag:s22] =	dma.local [hbm:s5], s20  }
0x9e: {  	_ =	swait.ge [sflag:s22], s20  }
0x9f: {  	s4 =	ssub.s32 $0x0, s20;
	[sflag:s22] =	ssyncset.done $0x0  }
0xa0: {  	[sflag:s22] =	ssyncadd.s32 s4;
	_ =	sdelay $0x1  }
0xa1: {  	s23 =	simm.s32 $0x1B8B  }
0xa2: {  	_ =	swait.ge [sflag:s23], $0x1  }
0xa3: {  	[sflag:s23] =	ssyncset.done $0x0  }
0xa4: {  	s25 =	simm.s32 $0x1B8E;
	s24 =	sld [smem:$0x3FFE];
	[sflag:s23] =	ssyncadd.s32 $0xFFFFFFFF  }
0xa5: {  	s26 =	simm.s32 $execute0_lowered;
	[smem:$0x3FD2] =	sst s25  }
0xa6: {  	s5 =	sshll.u32 s26, $0x1;
	_ =	strace $0x80000046;
	[dreg:$0x1] =	wrdreg $0xFFFFFFFF  }
0xa7: {  	s28 =	simm.s32 $_size_execute0_lowered;
	s3 =	sadd.s32 s3, s5;
	[dreg:$0x0] =	wrdreg $0x0  }
0xa8: {  	s5 =	sshll.u32 s28, $0x1;
	[dreg:$0x2] =	wrdreg s3  }
0xa9: {  	[dreg:$0x3] =	wrdreg s5  }
0xaa: {  	[dreg:$0x4] =	wrdreg $0xC0  }
0xab: {  	_ =	task [dreg:s7], $0x5FFFF  }
0xac: {  	[dreg:$0x1] =	wrdreg $0xFFFFFFFF  }
0xad: {  	[dreg:$0x0] =	wrdreg $0x60  }
0xae: {  	[dreg:$0x2] =	wrdreg s2  }
0xaf: {  	[dreg:$0x3] =	wrdreg s24  }
0xb0: {  	[dreg:$0x4] =	wrdreg $0x9  }
0xb1: {  	_ =	task.clear_ibuf [dreg:s7], $0x5FFFF;
	_ =	strace $0x90000046  }
0xb2: {  	s29 =	simm.s32 $0x9;
	_ =	strace $0x80000048  }
0xb3: {  	_ =	swait.ge [sflag:s29], $0x1  }
0xb4: {  	[sflag:s29] =	ssyncadd.s32 $0xFFFFFFFF  }
0xb5: {  	_ =	strace $0x90000048  }
0xb6: {  	_ =	sfence  }
0xb7: {  	s30 =	sld [smem:$0x0];
	_ =	sdelay $0x2  }
0xb8: {  	s31 =	sshll.u32 s1, $0xD;
	s1 =	sshrl.u32 s1, $0x2  }
0xb9: {  	s3 =	sand.u32 $0x4000, s31;
	s1 =	sadd.s32 s1, s30  }
0xba: {  	s0 =	sor.u32 s3, s0;
	s1 =	sshll.u32 s1, $0x11  }
0xbb: {  	s0 =	sor.u32 s1, s0  }
0xbc: {  	s0 =	sadd.s32 $0x8F2B, s0  }
0xbd: {  	[sflag:s0] =	ssyncadd.remote.s32 $0x1  }
0xbe: {  	_ =	sfence.sel $0xFFFF  }
0xbf: {  	[dreg:$0x0] =	wrdreg $0xFFFFFFFF;
	(pc) =	sbr.abs _section_cstart, $3  }
0xc0: {  	[dreg:$0x1] =	wrdreg $0xFFFFFFFF  }
0xc1: {  	_ =	task.clear_ibuf [dreg:s7], $0x2FFFF;
	_ =	strace $0x9FFFFFFF  }
0xc2: {  	(tm) =	ssettm $0x7FFFFFFF  }
0xc3: {  	_ =	shalt  }
tec
execute0_lowered:
.L_overlay_start_1:
0x0: {  	(tag) =	ssettag $0x1  }
0x1: {  	s1 =	srdreg.scid;
	s0 =	stileid.u32  }
0x2: {  	s3 =	sand.u32 $0x1, s1;
	s28 =	sshll.u32 s0, $0x1  }
0x3: {  	s5 =	rddreg [dreg:$0x0];
	s4 =	sor.u32 s3, s28  }
0x4: {  	s2 =	simm.s32 $0x1;
	p1 =	seq.s32 s3, $0x1;
	p0 =	seq.s32 s4, $0x0  }
0x5: {  	s6 =	rddreg [dreg:$0x1];
	s9 =	simm.s32 $0x400;
	p0 =	por !p0, !p1  }
0x6: {  	s10 =	simm.s32 $0x5000;
	s11 =	simm.s32 $0x11380;
	p0 =	por !p0, !p0  }
0x7: {  	s12 =	simm.s32 $0x0;
	s3 =	ssub.s32 $0x2, s3;
	s2 =	simm.s32 @!p0 $0x0  }
0x8: {  	s1 =	rddreg [dreg:$0x2];
	s29 =	sshrl.u32 s3, $0x1;
	s7 =	ssub.s32 s0, s2  }
0x9: {  	s4 =	smul.u32 $0x186A, s4;
	s30 =	ssub.s32 s3, s29;
	s8 =	sshrl.u32 s7, $0x3  }
0xa: {  	s2 =	simm.s32 $0x0;
	s7 =	sshll.u32 s7, $0x7;
	s8 =	smul.u32 $0x28000, s8  }
0xb: {  	s3 =	simm.s32 $0x1;
	[smem:$0x7FF] =	sst s2;
	s7 =	sand.u32 $0x380, s7  }
0xc: {  	s6 =	sadd.s32 s4, s6;
	_ =	strace $0x80000047;
	s7 =	sor.u32 s7, s8  }
0xd: {  	s8 =	simm.s32 $0x80;
	s31 =	sshrl.u32 s7, $0x3;
	s7 =	smax.u32 s30, $0x1  }
0xe: {  	s4 =	sadd.s32 s5, s31;
	s5 =	sadd.s32 $0x800, s6;
	s6 =	sadd.s32 $0x31600, s6  }
.LBB2_1:
0xf: {  	[tilespmem:s2], [sflag:$0x1] =	stream.strided.gather [hbm4b:s4+s8], $0x5000, s9, s8, $0x38;
	[tilespmem:$0x1D700] =	vst v63  }
0x10: {  	_ =	swait.ge [sflag:s3], $0x5000  }
0x11: {  	[sflag:s3] =	ssyncset.done $0x0  }
0x12: {  	[sflag:s3] =	ssyncadd.s32 $0xFFFFB000  }
0x13: {  	[tilespmem:s10], [sflag:$0x1] =	stream.linear.gather [hbm4b:s5+s2], $0xC350, $0x38;
	[tilespmem:$0x1D700] =	vst v63  }
0x14: {  	_ =	swait.ge [sflag:s3], $0xC350  }
0x15: {  	[sflag:s3] =	ssyncset.done $0x0  }
0x16: {  	s13 =	simm.s32 $0x5020;
	[sflag:s3] =	ssyncadd.s32 $0xFFFF3CB0  }
0x17: {  	v5 =	vld [tilespmem:s13+$0x20];
	_ =	sdelay $0x3  }
0x18: {  	v4 =	vld [tilespmem:s13+$0xFFFFFFE0]  }
0x19: {  	v2 =	vld [tilespmem:s13+$0xFFFFFFF0];
	v1 =	vshrl.u32 v5, $0x4  }
0x1a: {  	v6 =	vld [tilespmem:s13+$0x0]  }
0x1b: {  	s31 =	simm.s32 $0x5070;
	v7 =	vld [tilespmem:s13+$0x10]  }
0x1c: {  	v0 =	vld [tilespmem:s31+$0x20]  }
0x1d: {  	v14 =	vld [tilespmem:s31+$0xFFFFFFF0];
	v9 =	vshrl.u32 v4, $0x4  }
0x1e: {  	v11 =	vshrl.u32 v2, $0x4;
	v10 =	vld.idx.msk [tilespmem:v1+s2+$0x0], $0xffff  }
0x1f: {  	v17 =	vld [tilespmem:s31+$0x0];
	v16 =	vshrl.u32 v6, $0x4  }
0x20: {  	v19 =	vld [tilespmem:s31+$0x10];
	v18 =	vshrl.u32 v7, $0x4  }
0x21: {  	v8 =	vld [tilespmem:s31+$0xFFFFFFE0];
	v3 =	vand.u32 $0xF, v2;
	v2 =	vand.u32 $0xF, v6  }
0x22: {  	v4 =	vand.u32 $0xF, v4;
	v6 =	vand.u32 $0xF, v5;
	v15 =	vshrl.u32 v0, $0x4;
	v12 =	vld.idx.msk [tilespmem:v9+s2+$0x0], $0xffff  }
0x23: {  	v5 =	vshrl.u32 v14, $0x4;
	v1 =	vand.u32 $0xF, v7;
	v13 =	vld.idx.msk [tilespmem:v11+s2+$0x0], $0xffff;
	v7 =	vshrl.u32 v10, v6  }
0x24: {  	s13 =	simm.s32 $0x113A0;
	v9 =	vand.u32 $0xF, v14;
	v14 =	vld.idx.msk [tilespmem:v16+s2+$0x0], $0xffff;
	v11 =	vand.u32 $0xF, v17;
	v20 =	vand.u32 $0x1, v7  }
0x25: {  	s14 =	simm.s32 $0x50;
	s15 =	simm.s32 $0x50C0;
	v16 =	vld.idx.msk [tilespmem:v18+s2+$0x0], $0xffff;
	v6 =	vshrl.u32 v17, $0x4;
	v10 =	vand.u32 $0xF, v19;
	v7 =	vshrl.u32 v19, $0x4;
	[tilespmem:s13+$0x20] =	vst v20  }
.LBB2_2:
0x26: {  	v17 =	vld [tilespmem:s15+$0x20];
	v18 =	vshrl.u32 v8, $0x4;
	v8 =	vand.u32 $0xF, v8  }
0x27: {  	s14 =	sadd.s32 $0x50, s14;
	v19 =	vld.idx.msk [tilespmem:v15+s2+$0x0], $0xffff  }
0x28: {  	p0 =	slt.u32 s14, $0xC300;
	v12 =	vshrl.u32 v12, v4;
	v4 =	vmov v8;
	v20 =	vld [tilespmem:s15+$0xFFFFFFF0]  }
0x29: {  	v8 =	vand.u32 $0x1, v12;
	v12 =	vshrl.u32 v13, v3;
	v3 =	vmov v9;
	v21 =	vld [tilespmem:s15+$0x0]  }
0x2a: {  	v9 =	vand.u32 $0x1, v12;
	v12 =	vshrl.u32 v14, v2;
	v2 =	vmov v11;
	v22 =	vld [tilespmem:s15+$0x10];
	[tilespmem:s13+$0xFFFFFFE0] =	vst v8  }
.Ltmp0:
0x2b: {  	v11 =	vshrl.u32 v16, v1;
	v1 =	vmov v10;
	v8 =	vld [tilespmem:s15+$0xFFFFFFE0];
	[tilespmem:s13+$0xFFFFFFF0] =	vst v9;
	v9 =	vand.u32 $0x1, v12;
	(pc) =	sbr.rel @p0 .LBB2_2-.Ltmp0, $4  }
0x2c: {  	v10 =	vand.u32 $0xF, v0;
	v15 =	vshrl.u32 v17, $0x4;
	v11 =	vand.u32 $0x1, v11;
	v0 =	vmovc v17;
	v12 =	vld.idx.msk [tilespmem:v18+s2+$0x0], $0xffff;
	[tilespmem:s13+$0x0] =	vst v9  }
0x2d: {  	v10 =	vshrl.u32 v19, v10;
	v9 =	vand.u32 $0xF, v20;
	v13 =	vld.idx.msk [tilespmem:v5+s2+$0x0], $0xffff;
	v5 =	vshrl.u32 v20, $0x4;
	[tilespmem:s13+$0x10] =	vst v11  }
0x2e: {  	v17 =	vand.u32 $0x1, v10;
	s13 =	sadd.s32 $0x50, s13;
	v11 =	vand.u32 $0xF, v21;
	v14 =	vld.idx.msk [tilespmem:v6+s2+$0x0], $0xffff;
	v6 =	vshrl.u32 v21, $0x4  }
0x2f: {  	s15 =	sadd.s32 $0x50, s15;
	v10 =	vand.u32 $0xF, v22;
	v16 =	vld.idx.msk [tilespmem:v7+s2+$0x0], $0xffff;
	v7 =	vshrl.u32 v22, $0x4;
	[tilespmem:s13+$0x20] =	vst v17  }
0x30: {  	_ =	sdelay $0x2  }
0x31: {  	v17 =	vshrl.u32 v8, $0x4  }
0x32: {  	v15 =	vld.idx.msk [tilespmem:v15+s2+$0x0], $0xffff  }
0x33: {  	v5 =	vld.idx.msk [tilespmem:v5+s2+$0x0], $0xffff;
	v4 =	vshrl.u32 v12, v4  }
0x34: {  	v53 =	vld.idx.msk [tilespmem:v6+s2+$0x0], $0xffff;
	v4 =	vand.u32 $0x1, v4;
	v3 =	vshrl.u32 v13, v3  }
0x35: {  	v54 =	vld.idx.msk [tilespmem:v7+s2+$0x0], $0xffff;
	[tilespmem:s13+$0xFFFFFFE0] =	vst v4;
	v3 =	vand.u32 $0x1, v3;
	v2 =	vshrl.u32 v14, v2  }
0x36: {  	v0 =	vand.u32 $0xF, v0;
	[tilespmem:s13+$0xFFFFFFF0] =	vst v3;
	v2 =	vand.u32 $0x1, v2;
	v1 =	vshrl.u32 v16, v1;
	v52 =	vld.idx.msk [tilespmem:v17+s2+$0x0], $0xffff  }
0x37: {  	[tilespmem:s13+$0x0] =	vst v2;
	v1 =	vand.u32 $0x1, v1;
	v0 =	vshrl.u32 v15, v0  }
0x38: {  	s31 =	sadd.s32 $0x50, s13;
	v58 =	vshrl.u32 v5, v9;
	[tilespmem:s13+$0x10] =	vst v1;
	v0 =	vand.u32 $0x1, v0  }
0x39: {  	v60 =	vshrl.u32 v53, v11;
	v59 =	vand.u32 $0x1, v58;
	[tilespmem:s31+$0x20] =	vst v0  }
0x3a: {  	v55 =	vand.u32 $0xF, v8;
	v62 =	vshrl.u32 v54, v10;
	v61 =	vand.u32 $0x1, v60;
	[tilespmem:s31+$0xFFFFFFF0] =	vst v59  }
0x3b: {  	s12 =	sadd.s32 $0x1, s12;
	v63 =	vand.u32 $0x1, v62;
	[tilespmem:s31+$0x0] =	vst v61;
	v56 =	vshrl.u32 v52, v55  }
0x3c: {  	p0 =	sne.s32 s12, s7;
	[tilespmem:s31+$0x10] =	vst v63;
	v57 =	vand.u32 $0x1, v56  }
.Ltmp1:
0x3d: {  	[tilespmem:s31+$0xFFFFFFE0] =	vst v57;
	(pc) =	sbr.rel @p0 .LBB2_1-.Ltmp1, $4  }
0x3e: {  	[hbm4b:s6+s2] =	stream.linear.scatter [tilespmem:s11], [sflag:$0x1], $0xC350, $0x38;
	[tilespmem:$0x1D700] =	vst v63  }
0x3f: {  	_ =	swait.ge [sflag:s3], $0xC350  }
0x40: {  	[sflag:s3] =	ssyncset.done $0x0  }
0x41: {  	[sflag:s3] =	ssyncadd.s32 $0xFFFF3CB0  }
0x42: {  	_ =	sfence.sel $0x180000  }
0x43: {  	[bflag:$0x0] =	sbarrier.arrive $0xFFFF  }
0x44: {  	p0 =	sne.s32 s0, $0x0;
	_ =	strace $0x90000047  }
0x45: {  	s0 =	sadd.s32 @!p0 $0x100000, s1;
	[bflag:$0x2] =	sbarrier.arrive $0xFFFF  }
0x46: {  	[sflag:s0] =	ssyncadd.tile.s32 @!p0 $0x1;
	_ =	shalt  }
.Lfunc_end2:
_tile_overlayer_lowered:
.L_overlay_start_2:
0x47: {  	(tag) =	ssettag $0x2  }
0x48: {  	s0 =	rddreg [dreg:$0x0];
	s2 =	stileid.u32  }
0x49: {  	s1 =	rddreg [dreg:$0x1];
	p0 =	sne.s32 s2, $0x0  }
0x4a: {  	s3 =	rddreg [dreg:$0x2];
	[bflag:$0x3] =	sbarrier.arrive $0xFFFF;
	s2 =	simm.s32 @!p0 $0x1C01  }
0x4b: {  	[timem:s3], [sflag:s2] =	dma.local @!p0 [hbm:s0], s1  }
0x4c: {  	s0 =	simm.s32 @!p0 $0x1  }
0x4d: {  	_ =	swait.ge @!p0 [sflag:s0], s1  }
0x4e: {  	s1 =	ssub.s32 @!p0 $0x0, s1;
	[sflag:s0] =	ssyncset.done @!p0 $0x0  }
0x4f: {  	[sflag:s0] =	ssyncadd.s32 @!p0 s1  }
0x50: {  	[bflag:$0x3] =	sbarrier.arrive $0xFFFF  }
0x51: {  	_ =	shalt  }

</sc_bundles>
